<compile_context>
chip_gen: v7x
topology: tpu7x:2x2x1
jax: 0.10.2.dev20260603
libtpu: 0.0.44.dev20260713+nightly
codegen_flags: <defaults>
</compile_context>

<pallas_src>
import functools

import jax
import jax.numpy as jnp
from jax import lax
from jax.experimental import pallas as pl
from jax.experimental.pallas import tpu as pltpu
from jax.experimental.pallas import tpu_sc as plsc

NUM_CORES = 2
NUM_SUBCORES = 16
BUF_ROWS = 16
BLOCK_ROWS = 256


def _sc_body(table_hbm, ids_hbm, out_hbm, idx_v, rows_v, sem):
    wid = lax.axis_index("s") * NUM_CORES + lax.axis_index("c")
    rows_per_w = out_hbm.shape[0] // (NUM_CORES * NUM_SUBCORES)
    base = wid * rows_per_w
    pltpu.sync_copy(ids_hbm, idx_v)
    pltpu.async_copy(table_hbm.at[idx_v], rows_v, sem).wait()
    copies = []
    for b in range(rows_per_w // BUF_ROWS):
        dst = out_hbm.at[pl.ds(base + b * BUF_ROWS, BUF_ROWS)]
        copies.append(pltpu.async_copy(rows_v, dst, sem))
    for c in copies:
        c.wait()


def _sc_broadcast(modality_table, ids, out_rows):
    d_model = modality_table.shape[1]
    mesh = plsc.VectorSubcoreMesh(core_axis_name="c", subcore_axis_name="s")
    run = functools.partial(
        pl.kernel,
        mesh=mesh,
        out_type=jax.ShapeDtypeStruct((out_rows, d_model), jnp.float32),
        scratch_types=[
            pltpu.VMEM((BUF_ROWS,), jnp.int32),
            pltpu.VMEM((BUF_ROWS, d_model), jnp.float32),
            pltpu.SemaphoreType.DMA,
        ],
    )(_sc_body)
    return run(modality_table, ids)


def _tc_block_body(tid_ref, table_ref, out_ref):
    tid = tid_ref[0]
    r0 = table_ref[0, :]
    r1 = table_ref[1, :]
    r2 = table_ref[2, :]
    row = jnp.where(tid == 0, r0, jnp.where(tid == 1, r1, r2))
    out_ref[...] = jnp.broadcast_to(row[None, :], out_ref.shape)


def _tc_broadcast(modality_table, tid, out_rows):
    d_model = modality_table.shape[1]
    grid = (out_rows // BLOCK_ROWS,)
    return pl.pallas_call(
        _tc_block_body,
        grid_spec=pltpu.PrefetchScalarGridSpec(
            num_scalar_prefetch=1,
            grid=grid,
            in_specs=[
                pl.BlockSpec(modality_table.shape, lambda i, tid: (0, 0)),
            ],
            out_specs=pl.BlockSpec((BLOCK_ROWS, d_model), lambda i, tid: (i, 0)),
        ),
        out_shape=jax.ShapeDtypeStruct((out_rows, d_model), jnp.float32),
    )(tid, modality_table)


SC_ROWS = 2048


def kernel(embeddings, modality_table, token_type_id):
    seq_len = embeddings.shape[1]
    tid = jnp.asarray(token_type_id, dtype=jnp.int32).reshape((1,))
    ids = jnp.full((BUF_ROWS,), token_type_id, dtype=jnp.int32)
    tc_part = _tc_broadcast(modality_table, tid, seq_len - SC_ROWS)
    sc_part = _sc_broadcast(modality_table, ids, SC_ROWS)
    return jnp.concatenate([tc_part, sc_part], axis=0)

# --- scband reference (transcript-rebuilt; emitter-appended) ---
"""Pipeline reference for scband-token-type-embeddings-22402549416174 (READ-ONLY COPY).

The authoritative reference and input builder live on the scoring server;
editing this copy changes nothing except your own understanding.
"""

import jax, jax.numpy as jnp
import numpy as np

D_MODEL = 4096
TOKEN_TYPE_NUM = 3
BATCH = 4
SEQ_LEN = 8192


def setup_inputs(seed: int = 0) -> dict:
    key = jax.random.key(seed)
    k1, k2 = jax.random.split(key)
    embeddings = jax.random.normal(k1, (BATCH, SEQ_LEN, D_MODEL), dtype=jnp.float32)
    # learned parameter: modality embedding table [token_type_num, d_model]
    modality_table = jax.random.normal(k2, (TOKEN_TYPE_NUM, D_MODEL), dtype=jnp.float32) * 0.02
    # token_type 'object' -> id 0 (type2id = {'object': 0, 'segment': 1, 'question': 2})
    token_type_id = 0
    return {"embeddings": embeddings, "modality_table": modality_table, "token_type_id": token_type_id}


def reference(embeddings, modality_table, token_type_id):
    # Faithful translation of TokenTypeEmbeddings.forward:
    # seq_length = embeddings.size(1)
    # ids = [token_type_id] * seq_length
    # return self.modality_embedding(ids)
    seq_length = embeddings.shape[1]
    ids = jnp.full((seq_length,), token_type_id, dtype=jnp.int32)
    modality_embeddings = jnp.take(modality_table, ids, axis=0)
    return modality_embeddings

if __name__ == "__main__":
    import jax
    _d = setup_inputs()
    print(jax.jit(kernel)(*tuple(_d.values())))

</pallas_src>

<mosaic_0001>
#map = affine_map<(d0, d1) -> (0, 0)>
#map1 = affine_map<(d0, d1) -> (0)>
module attributes {stable_mosaic.version = 14 : i64} {
  func.func @_sc_body(%arg0: i32, %arg1: i32, %arg2: memref<3x4096xf32, #tpu.memory_space<hbm>>, %arg3: memref<16xi32, #tpu.memory_space<hbm>>, %arg4: memref<2048x4096xf32, #tpu.memory_space<hbm>>, %arg5: memref<16xi32, #tpu.memory_space<vmem>>, %arg6: memref<16x4096xf32, #tpu.memory_space<vmem>>, %arg7: memref<!tpu.dma_semaphore, #tpu.memory_space<semaphore_mem>>) attributes {dimension_semantics = [#tpu.dimension_semantics<core_parallel>, #tpu.dimension_semantics<subcore_parallel>], iteration_bounds = array<i64: 2, 16>, scalar_prefetch = 0 : i64, scratch_operands = 3 : i64, tpu.core_type = #tpu.core_type<sc_vector_subcore>, window_params = [{transform_indices = #map}, {transform_indices = #map1}, {transform_indices = #map}]} {
    %mul3A = arith.constant 2 : i32
    %mul3A_0 = arith.muli %arg1, %mul3A : i32
    %add3A = arith.addi %mul3A_0, %arg0 : i32
    %mul3A_1 = arith.constant 64 : i32
    %mul3A_2 = arith.muli %add3A, %mul3A_1 : i32
    "tpu.region"() ({
      %run_scoped3A = tpu.sem_alloc : memref<!tpu.dma_semaphore, #tpu.memory_space<semaphore_mem>>
      tpu.enqueue_dma source(%arg3 : memref<16xi32, #tpu.memory_space<hbm>>) target(%arg5 : memref<16xi32, #tpu.memory_space<vmem>>) target_semaphore(%run_scoped3A : memref<!tpu.dma_semaphore, #tpu.memory_space<semaphore_mem>>)
      tpu.wait_dma2 semaphore(%run_scoped3A : memref<!tpu.dma_semaphore, #tpu.memory_space<semaphore_mem>>) src(%arg3 : memref<16xi32, #tpu.memory_space<hbm>>) dst(%arg5 : memref<16xi32, #tpu.memory_space<vmem>>)
      tpu.yield
    }) : () -> ()
    %dma_start3A = arith.constant 0 : i32
    %dma_start3A_3 = arith.constant 0 : i32
    %dma_start3A_4 = tpu.memref_slice %arg2[%dma_start3A, %dma_start3A_3] : memref<3x4096xf32, #tpu.memory_space<hbm>> -> memref<3x4096xf32, #tpu.memory_space<hbm>>
    tpu.enqueue_indirect_dma source(%dma_start3A_4 : memref<3x4096xf32, #tpu.memory_space<hbm>>) target(%arg6 : memref<16x4096xf32, #tpu.memory_space<vmem>>) offsets(%arg5 : memref<16xi32, #tpu.memory_space<vmem>>) semaphore(%arg7 : memref<!tpu.dma_semaphore, #tpu.memory_space<semaphore_mem>>)
    %dma_wait3A = arith.constant 0 : i32
    %dma_wait3A_5 = arith.constant 0 : i32
    %dma_wait3A_6 = tpu.memref_slice %arg2[%dma_wait3A, %dma_wait3A_5] : memref<3x4096xf32, #tpu.memory_space<hbm>> -> memref<3x4096xf32, #tpu.memory_space<hbm>>
    tpu.wait_indirect_dma semaphore(%arg7 : memref<!tpu.dma_semaphore, #tpu.memory_space<semaphore_mem>>) src(%dma_wait3A_6 : memref<3x4096xf32, #tpu.memory_space<hbm>>) dst(%arg6 : memref<16x4096xf32, #tpu.memory_space<vmem>>)
    %add3A_7 = arith.constant 0 : i32
    %add3A_8 = arith.addi %mul3A_2, %add3A_7 : i32
    %dma_start3A_9 = arith.constant 0 : i32
    %dma_start3A_10 = tpu.memref_slice %arg4[%add3A_8, %dma_start3A_9] : memref<2048x4096xf32, #tpu.memory_space<hbm>> -> memref<16x4096xf32, #tpu.memory_space<hbm>>
    %dma_start3A_11 = arith.constant 0 : i32
    %dma_start3A_12 = tpu.memref_slice %arg4[%add3A_8, %dma_start3A_11] : memref<2048x4096xf32, #tpu.memory_space<hbm>> -> memref<16x4096xf32, #tpu.memory_space<hbm>>
    tpu.enqueue_dma source(%arg6 : memref<16x4096xf32, #tpu.memory_space<vmem>>) target(%dma_start3A_12 : memref<16x4096xf32, #tpu.memory_space<hbm>>) target_semaphore(%arg7 : memref<!tpu.dma_semaphore, #tpu.memory_space<semaphore_mem>>)
    %add3A_13 = arith.constant 16 : i32
    %add3A_14 = arith.addi %mul3A_2, %add3A_13 : i32
    %dma_start3A_15 = arith.constant 0 : i32
    %dma_start3A_16 = tpu.memref_slice %arg4[%add3A_14, %dma_start3A_15] : memref<2048x4096xf32, #tpu.memory_space<hbm>> -> memref<16x4096xf32, #tpu.memory_space<hbm>>
    %dma_start3A_17 = arith.constant 0 : i32
    %dma_start3A_18 = tpu.memref_slice %arg4[%add3A_14, %dma_start3A_17] : memref<2048x4096xf32, #tpu.memory_space<hbm>> -> memref<16x4096xf32, #tpu.memory_space<hbm>>
    tpu.enqueue_dma source(%arg6 : memref<16x4096xf32, #tpu.memory_space<vmem>>) target(%dma_start3A_18 : memref<16x4096xf32, #tpu.memory_space<hbm>>) target_semaphore(%arg7 : memref<!tpu.dma_semaphore, #tpu.memory_space<semaphore_mem>>)
    %add3A_19 = arith.constant 32 : i32
    %add3A_20 = arith.addi %mul3A_2, %add3A_19 : i32
    %dma_start3A_21 = arith.constant 0 : i32
    %dma_start3A_22 = tpu.memref_slice %arg4[%add3A_20, %dma_start3A_21] : memref<2048x4096xf32, #tpu.memory_space<hbm>> -> memref<16x4096xf32, #tpu.memory_space<hbm>>
    %dma_start3A_23 = arith.constant 0 : i32
    %dma_start3A_24 = tpu.memref_slice %arg4[%add3A_20, %dma_start3A_23] : memref<2048x4096xf32, #tpu.memory_space<hbm>> -> memref<16x4096xf32, #tpu.memory_space<hbm>>
    tpu.enqueue_dma source(%arg6 : memref<16x4096xf32, #tpu.memory_space<vmem>>) target(%dma_start3A_24 : memref<16x4096xf32, #tpu.memory_space<hbm>>) target_semaphore(%arg7 : memref<!tpu.dma_semaphore, #tpu.memory_space<semaphore_mem>>)
    %add3A_25 = arith.constant 48 : i32
    %add3A_26 = arith.addi %mul3A_2, %add3A_25 : i32
    %dma_start3A_27 = arith.constant 0 : i32
    %dma_start3A_28 = tpu.memref_slice %arg4[%add3A_26, %dma_start3A_27] : memref<2048x4096xf32, #tpu.memory_space<hbm>> -> memref<16x4096xf32, #tpu.memory_space<hbm>>
    %dma_start3A_29 = arith.constant 0 : i32
    %dma_start3A_30 = tpu.memref_slice %arg4[%add3A_26, %dma_start3A_29] : memref<2048x4096xf32, #tpu.memory_space<hbm>> -> memref<16x4096xf32, #tpu.memory_space<hbm>>
    tpu.enqueue_dma source(%arg6 : memref<16x4096xf32, #tpu.memory_space<vmem>>) target(%dma_start3A_30 : memref<16x4096xf32, #tpu.memory_space<hbm>>) target_semaphore(%arg7 : memref<!tpu.dma_semaphore, #tpu.memory_space<semaphore_mem>>)
    %dma_wait3A_31 = arith.constant 0 : i32
    %dma_wait3A_32 = tpu.memref_slice %arg4[%add3A_8, %dma_wait3A_31] : memref<2048x4096xf32, #tpu.memory_space<hbm>> -> memref<16x4096xf32, #tpu.memory_space<hbm>>
    %dma_wait3A_33 = arith.constant 0 : i32
    %dma_wait3A_34 = tpu.memref_slice %arg4[%add3A_8, %dma_wait3A_33] : memref<2048x4096xf32, #tpu.memory_space<hbm>> -> memref<16x4096xf32, #tpu.memory_space<hbm>>
    tpu.wait_dma2 semaphore(%arg7 : memref<!tpu.dma_semaphore, #tpu.memory_space<semaphore_mem>>) src(%arg6 : memref<16x4096xf32, #tpu.memory_space<vmem>>) dst(%dma_wait3A_34 : memref<16x4096xf32, #tpu.memory_space<hbm>>)
    %dma_wait3A_35 = arith.constant 0 : i32
    %dma_wait3A_36 = tpu.memref_slice %arg4[%add3A_14, %dma_wait3A_35] : memref<2048x4096xf32, #tpu.memory_space<hbm>> -> memref<16x4096xf32, #tpu.memory_space<hbm>>
    %dma_wait3A_37 = arith.constant 0 : i32
    %dma_wait3A_38 = tpu.memref_slice %arg4[%add3A_14, %dma_wait3A_37] : memref<2048x4096xf32, #tpu.memory_space<hbm>> -> memref<16x4096xf32, #tpu.memory_space<hbm>>
    tpu.wait_dma2 semaphore(%arg7 : memref<!tpu.dma_semaphore, #tpu.memory_space<semaphore_mem>>) src(%arg6 : memref<16x4096xf32, #tpu.memory_space<vmem>>) dst(%dma_wait3A_38 : memref<16x4096xf32, #tpu.memory_space<hbm>>)
    %dma_wait3A_39 = arith.constant 0 : i32
    %dma_wait3A_40 = tpu.memref_slice %arg4[%add3A_20, %dma_wait3A_39] : memref<2048x4096xf32, #tpu.memory_space<hbm>> -> memref<16x4096xf32, #tpu.memory_space<hbm>>
    %dma_wait3A_41 = arith.constant 0 : i32
    %dma_wait3A_42 = tpu.memref_slice %arg4[%add3A_20, %dma_wait3A_41] : memref<2048x4096xf32, #tpu.memory_space<hbm>> -> memref<16x4096xf32, #tpu.memory_space<hbm>>
    tpu.wait_dma2 semaphore(%arg7 : memref<!tpu.dma_semaphore, #tpu.memory_space<semaphore_mem>>) src(%arg6 : memref<16x4096xf32, #tpu.memory_space<vmem>>) dst(%dma_wait3A_42 : memref<16x4096xf32, #tpu.memory_space<hbm>>)
    %dma_wait3A_43 = arith.constant 0 : i32
    %dma_wait3A_44 = tpu.memref_slice %arg4[%add3A_26, %dma_wait3A_43] : memref<2048x4096xf32, #tpu.memory_space<hbm>> -> memref<16x4096xf32, #tpu.memory_space<hbm>>
    %dma_wait3A_45 = arith.constant 0 : i32
    %dma_wait3A_46 = tpu.memref_slice %arg4[%add3A_26, %dma_wait3A_45] : memref<2048x4096xf32, #tpu.memory_space<hbm>> -> memref<16x4096xf32, #tpu.memory_space<hbm>>
    tpu.wait_dma2 semaphore(%arg7 : memref<!tpu.dma_semaphore, #tpu.memory_space<semaphore_mem>>) src(%arg6 : memref<16x4096xf32, #tpu.memory_space<vmem>>) dst(%dma_wait3A_46 : memref<16x4096xf32, #tpu.memory_space<hbm>>)
    return
  }
}

module attributes {stable_mosaic.version = 14 : i64} {
  func.func @_tc_block_body(%arg0: i32, %arg1: memref<1xi32, #tpu.memory_space<smem>>, %arg2: memref<3x4096xf32, #tpu.memory_space<vmem>>, %arg3: memref<256x4096xf32, #tpu.memory_space<vmem>>) attributes {dimension_semantics = [#tpu.dimension_semantics<arbitrary>], iteration_bounds = array<i64: 24>, scalar_prefetch = 1 : i64, scratch_operands = 0 : i64, tpu.core_type = #tpu.core_type<tc>, window_params = [{pipeline_mode = #tpu.pipeline_mode<synchronous>, transform_indices = @transform_0, window_bounds = array<i64: 3, 4096>}, {transform_indices = @transform_1, window_bounds = array<i64: 256, 4096>}]} {
    %get3A = arith.constant 0 : index
    %get3A_0 = memref.load %arg1[%get3A] : memref<1xi32, #tpu.memory_space<smem>>
    %get3A_1 = arith.constant 0 : index
    %get3A_2 = arith.constant 0 : index
    %get3A_3 = vector.load %arg2[%get3A_1, %get3A_2] : memref<3x4096xf32, #tpu.memory_space<vmem>>, vector<1x4096xf32>
    %get3A_4 = vector.shape_cast %get3A_3 : vector<1x4096xf32> to vector<4096xf32>
    %get3A_5 = arith.constant 1 : index
    %get3A_6 = arith.constant 0 : index
    %get3A_7 = vector.load %arg2[%get3A_5, %get3A_6] : memref<3x4096xf32, #tpu.memory_space<vmem>>, vector<1x4096xf32>
    %get3A_8 = vector.shape_cast %get3A_7 : vector<1x4096xf32> to vector<4096xf32>
    %get3A_9 = arith.constant 2 : index
    %get3A_10 = arith.constant 0 : index
    %get3A_11 = vector.load %arg2[%get3A_9, %get3A_10] : memref<3x4096xf32, #tpu.memory_space<vmem>>, vector<1x4096xf32>
    %get3A_12 = vector.shape_cast %get3A_11 : vector<1x4096xf32> to vector<4096xf32>
    %eq3A = arith.constant 0 : i32
    %eq3A_13 = arith.cmpi eq, %get3A_0, %eq3A : i32
    %eq3A_14 = arith.constant 1 : i32
    %eq3A_15 = arith.cmpi eq, %get3A_0, %eq3A_14 : i32
    %select_n3A = arith.select %eq3A_15, %get3A_8, %get3A_12 : vector<4096xf32>
    %select_n3A_16 = arith.select %eq3A_13, %get3A_4, %select_n3A : vector<4096xf32>
    %broadcast_in_dim3A = vector.shape_cast %select_n3A_16 : vector<4096xf32> to vector<1x4096xf32>
    %broadcast_in_dim3A_17 = vector.shape_cast %broadcast_in_dim3A : vector<1x4096xf32> to vector<1x4096xf32>
    %broadcast_in_dim3A_18 = vector.broadcast %broadcast_in_dim3A_17 : vector<1x4096xf32> to vector<256x4096xf32>
    %swap3A = arith.constant 0 : index
    %swap3A_19 = arith.constant 0 : index
    %swap3A_20 = vector.load %arg3[%swap3A, %swap3A_19] : memref<256x4096xf32, #tpu.memory_space<vmem>>, vector<256x4096xf32>
    tpu.vector_store %arg3[%swap3A, %swap3A_19], %broadcast_in_dim3A_18 {strides = array<i32>} : memref<256x4096xf32, #tpu.memory_space<vmem>>, vector<256x4096xf32>,
    return
  }
  func.func @transform_0(%arg0: i32, %arg1: memref<1xi32, #tpu.memory_space<smem>>) -> (i32, i32) {
    %c0_i32 = arith.constant 0 : i32
    %c0_i32_0 = arith.constant 0 : i32
    %c0_i32_1 = arith.constant 0 : i32
    return %c0_i32, %c0_i32_0 : i32, i32
  }
  func.func @transform_1(%arg0: i32, %arg1: memref<1xi32, #tpu.memory_space<smem>>) -> (i32, i32) {
    %c0_i32 = arith.constant 0 : i32
    %c0_i32_0 = arith.constant 0 : i32
    return %arg0, %c0_i32 : i32, i32
  }
}

</mosaic_0001>

<sc_bundles>
// kernel: kernel.4.cloned.1.call-start
scs
__scs_entry_jumppad:
0x0: {  	(pc) =	sbr.rel $0x88, $3  }
0x1: {  	(tag) =	ssettag $0x0;
	lr =	simm.s32 $0x1  }
0x2: {  	[smem:$0x3F9F] =	sst lr;
	_ =	strace $0xD0000000  }
0x3: {  	_ = 	snop  }
0x4: {  	_ = 	snop  }
0x5: {  	_ = 	snop  }
0x6: {  	_ = 	snop  }
0x7: {  	_ = 	snop  }
__scs_overlays_trampoline_lowered:
0x8: {  	[smem:$0x3FAE] =	sst s0  }
0x9: {  	[smem:$0x3FAF] =	sst s1  }
0xa: {  	[smem:$0x3FB0] =	sst s2  }
0xb: {  	[smem:$0x3FB1] =	sst s3  }
0xc: {  	[smem:$0x3FB2] =	sst s4  }
0xd: {  	[smem:$0x3FB3] =	sst s5  }
0xe: {  	[smem:$0x3FB4] =	sst s6  }
0xf: {  	[smem:$0x3FB5] =	sst s7  }
0x10: {  	[smem:$0x3FB6] =	sst s8  }
0x11: {  	[smem:$0x3FB7] =	sst s9;
	s0 =	simm.s32 @!p0 $0x0  }
0x12: {  	s1 =	sld [smem:$0x3F9D];
	s0 =	simm.s32 @p0 $0x1  }
0x13: {  	[smem:$0x3FB8] =	sst s0;
	s0 =	simm.s32 @!p1 $0x0  }
0x14: {  	s2 =	sld [smem:$0x3F9C];
	s0 =	simm.s32 @p1 $0x1  }
0x15: {  	[smem:$0x3FB9] =	sst s0;
	s0 =	simm.s32 @!p2 $0x0  }
0x16: {  	s3 =	sld [smem:$0x3FDB];
	s0 =	simm.s32 @p2 $0x1  }
0x17: {  	s4 =	simm.s32 $0x1BF5;
	[smem:$0x3FBB] =	sst s0  }
0x18: {  	s0 =	sld [smem:$0x3F9E];
	_ =	swait.ge [sflag:s4], $0x0  }
0x19: {  	s7 =	sld [smem:$0x3F9F]  }
0x1a: {  	s8 =	sadd.s32 $0xFFFFE003, lr  }
0x1b: {  	s9 =	sadd.s32 $0xFFFFFEF7, lr;
	s5 =	simm.s32 $0xFFFFFFFF;
	p2 =	slt.u32 s8, $0xFFFFF086  }
0x1c: {  	p1 =	slt.u32 s9, $0xF7A;
	s5 =	simm.s32 @!p2 $0x0  }
0x1d: {  	s5 =	simm.s32 @p1 $0x1;
	p0 =	seq.s32 s7, s2  }
0x1e: {  	s7 =	smul.u32 @!p0 $0xF7A, s2;
	p2 =	seq.s32 @!p0 s5, $0x0  }
0x1f: {  	s9 =	smul.u32 $0xF7A, s1;
	s8 =	simm.s32 @!p0 $0x1BF5;
	p2 =	por !p2, p0  }
0x20: {  	[sflag:s8] =	ssyncset.s32 @!p0 $0xFFFFF086;
	s6 =	sadd.s32 @!p0 s3, s7;
	s7 =	simm.s32 @!p0 $0x108  }
0x21: {  	s3 =	sadd.s32 s3, s9;
	s6 =	sadd.s32 @!p0 $0x88, s6;
	s7 =	simm.s32 @p2 $0x1082  }
0x22: {  	[simem:s7], [sflag:s8] =	dma.local @!p0 [hbm:s6], $0xF7A  }
0x23: {  	s9 =	sor.u32 $0xD0000000, s2;
	s6 =	simm.s32 $0x108;
	_ =	swait.ge @!p0 [sflag:s8], $0x0  }
0x24: {  	s3 =	sadd.s32 $0x88, s3;
	s6 =	simm.s32 @!p1 $0x1082;
	[sflag:s4] =	ssyncset.s32 $0xFFFFF086  }
0x25: {  	[simem:s6], [sflag:s4] =	dma.local [hbm:s3], $0xF7A  }
0x26: {  	[smem:$0x3F9F] =	sst s1;
	(tag) =	ssettag s2;
	_ =	strace s9  }
0x27: {  	s1 =	sld [smem:$0x3FAF]  }
0x28: {  	s2 =	sld [smem:$0x3FB0]  }
0x29: {  	s4 =	sld [smem:$0x3FB2]  }
0x2a: {  	p0 =	seq.s32 s5, $0x0;
	s5 =	sld [smem:$0x3FB3]  }
0x2b: {  	s6 =	sld [smem:$0x3FB4]  }
0x2c: {  	s7 =	sld [smem:$0x3FB5]  }
0x2d: {  	s3 =	simm.s32 $0x108;
	s8 =	sld [smem:$0x3FB6]  }
0x2e: {  	s3 =	simm.s32 @!p0 $0x1082;
	s9 =	sld [smem:$0x3FB7]  }
0x2f: {  	lr =	sadd.s32 s0, s3;
	s0 =	sld [smem:$0x3FAE]  }
0x30: {  	s3 =	sld [smem:$0x3FB1]  }
0x31: {  	[smem:$0x3FBA] =	sst s10  }
0x32: {  	s10 =	sld [smem:$0x3FB8];
	_ =	sdelay $0x3  }
0x33: {  	p0 =	seq.s32 s10, $0x1;
	s10 =	sld [smem:$0x3FBA];
	_ =	sdelay $0x3  }
0x34: {  	[smem:$0x3FBA] =	sst s10  }
0x35: {  	s10 =	sld [smem:$0x3FB9];
	_ =	sdelay $0x3  }
0x36: {  	p1 =	seq.s32 s10, $0x1;
	s10 =	sld [smem:$0x3FBA];
	_ =	sdelay $0x3  }
0x37: {  	[smem:$0x3FBA] =	sst s10  }
0x38: {  	s10 =	sld [smem:$0x3FBB]  }
0x39: {  	_ = 	snop;
	(pc) =	sbr.ind lr, $3  }
0x3a: {  	_ = 	snop  }
0x3b: {  	_ = 	snop  }
0x3c: {  	p2 =	seq.s32 s10, $0x1;
	s10 =	sld [smem:$0x3FBA]  }
0x3d: {  	_ =	shalt  }
0x3e: {  	_ =	shalt  }
0x3f: {  	_ =	shalt  }
0x40: {  	_ =	shalt  }
0x41: {  	_ =	shalt  }
0x42: {  	_ =	shalt  }
0x43: {  	_ =	shalt  }
0x44: {  	_ =	shalt  }
0x45: {  	_ =	shalt  }
0x46: {  	_ =	shalt  }
0x47: {  	_ =	shalt  }
0x48: {  	_ =	shalt  }
0x49: {  	_ =	shalt  }
0x4a: {  	_ =	shalt  }
0x4b: {  	_ =	shalt  }
0x4c: {  	_ =	shalt  }
0x4d: {  	_ =	shalt  }
0x4e: {  	_ =	shalt  }
0x4f: {  	_ =	shalt  }
0x50: {  	_ =	shalt  }
0x51: {  	_ =	shalt  }
0x52: {  	_ =	shalt  }
0x53: {  	_ =	shalt  }
0x54: {  	_ =	shalt  }
0x55: {  	_ =	shalt  }
0x56: {  	_ =	shalt  }
0x57: {  	_ =	shalt  }
0x58: {  	_ =	shalt  }
0x59: {  	_ =	shalt  }
0x5a: {  	_ =	shalt  }
0x5b: {  	_ =	shalt  }
0x5c: {  	_ =	shalt  }
0x5d: {  	_ =	shalt  }
0x5e: {  	_ =	shalt  }
0x5f: {  	_ =	shalt  }
0x60: {  	_ =	shalt  }
0x61: {  	_ =	shalt  }
0x62: {  	_ =	shalt  }
0x63: {  	_ =	shalt  }
0x64: {  	_ =	shalt  }
0x65: {  	_ =	shalt  }
0x66: {  	_ =	shalt  }
0x67: {  	_ =	shalt  }
0x68: {  	_ =	shalt  }
0x69: {  	_ =	shalt  }
0x6a: {  	_ =	shalt  }
0x6b: {  	_ =	shalt  }
0x6c: {  	_ =	shalt  }
0x6d: {  	_ =	shalt  }
0x6e: {  	_ =	shalt  }
0x6f: {  	_ =	shalt  }
0x70: {  	_ =	shalt  }
0x71: {  	_ =	shalt  }
0x72: {  	_ =	shalt  }
0x73: {  	_ =	shalt  }
0x74: {  	_ =	shalt  }
0x75: {  	_ =	shalt  }
0x76: {  	_ =	shalt  }
0x77: {  	_ =	shalt  }
0x78: {  	_ =	shalt  }
0x79: {  	_ =	shalt  }
0x7a: {  	_ =	shalt  }
0x7b: {  	_ =	shalt  }
0x7c: {  	_ =	shalt  }
0x7d: {  	_ =	shalt  }
0x7e: {  	_ =	shalt  }
0x7f: {  	_ =	shalt  }
0x80: {  	_ =	shalt  }
0x81: {  	_ =	shalt  }
0x82: {  	_ =	shalt  }
0x83: {  	_ =	shalt  }
0x84: {  	_ =	shalt  }
0x85: {  	_ =	shalt  }
0x86: {  	_ =	shalt  }
0x87: {  	_ =	shalt  }
.Lfunc_end0:
.L_simem_size_0:
called_computation_lowered:
.L_overlay_start_0:
0x88: {  	s2 =	sld [smem:$0x3FD9]  }
0x89: {  	s3 =	sld [smem:$0x3FFE];
	_ =	sdelay $0x1  }
0x8a: {  	s1 =	srdreg.scid  }
0x8b: {  	s0 =	sand.u32 $0x1, s1  }
0x8c: {  	s17 =	sshll.u32 s0, $0xA;
	s2 =	sadd.s32 s3, s2  }
0x8d: {  	s2 =	sadd.s32 s2, s17  }
0x8e: {  	[smem:$0x3FC6] =	sst s2  }
0x8f: {  	_ = 	snop  }
0x90: {  	s2 =	sld [smem:$0x3FC9];
	(tm) =	ssettm $0x1  }
0x91: {  	s18 =	sld [smem:$0x3FFB];
	_ =	sdelay $0x3  }
0x92: {  	_ =	strace s18  }
0x93: {  	s3 =	sld [smem:$0x3FFC];
	_ =	sdelay $0x3  }
0x94: {  	_ =	strace s3  }
0x95: {  	s3 =	sld [smem:$0x3FFD];
	_ =	sdelay $0x3  }
0x96: {  	_ =	strace s3  }
0x97: {  	_ =	strace $0x8FFFFFFF  }
0x98: {  	s19 =	sld [smem:$0x3FDB];
	_ =	sdelay $0x1  }
0x99: {  	s4 =	simm.s32 $_scs_section_size  }
0x9a: {  	s5 =	simm.s32 $_size__tile_overlayer_lowered;
	s6 =	simm.s32 $_tile_overlayer_lowered  }
0x9b: {  	s22 =	simm.s32 $0x1BFF;
	s21 =	sshll.u32 s6, $0x1;
	s3 =	sadd.s32 s4, s19  }
0x9c: {  	s7 =	simm.s32 $0x0;
	s20 =	sshll.u32 s5, $0x1;
	s5 =	sadd.s32 s21, s3  }
0x9d: {  	[timem:s7], [sflag:s22] =	dma.local [hbm:s5], s20  }
0x9e: {  	_ =	swait.ge [sflag:s22], s20  }
0x9f: {  	s4 =	ssub.s32 $0x0, s20;
	[sflag:s22] =	ssyncset.done $0x0  }
0xa0: {  	[sflag:s22] =	ssyncadd.s32 s4;
	_ =	sdelay $0x1  }
0xa1: {  	s23 =	simm.s32 $0x1B8B  }
0xa2: {  	_ =	swait.ge [sflag:s23], $0x1  }
0xa3: {  	[sflag:s23] =	ssyncset.done $0x0  }
0xa4: {  	s25 =	simm.s32 $0x1B8E;
	s24 =	sld [smem:$0x3FFE];
	[sflag:s23] =	ssyncadd.s32 $0xFFFFFFFF  }
0xa5: {  	s26 =	simm.s32 $execute0_lowered;
	[smem:$0x3FD2] =	sst s25  }
0xa6: {  	s5 =	sshll.u32 s26, $0x1;
	_ =	strace $0x80000046;
	[dreg:$0x1] =	wrdreg $0xFFFFFFFF  }
0xa7: {  	s28 =	simm.s32 $_size_execute0_lowered;
	s3 =	sadd.s32 s3, s5;
	[dreg:$0x0] =	wrdreg $0x0  }
0xa8: {  	s5 =	sshll.u32 s28, $0x1;
	[dreg:$0x2] =	wrdreg s3  }
0xa9: {  	[dreg:$0x3] =	wrdreg s5  }
0xaa: {  	[dreg:$0x4] =	wrdreg $0xC0  }
0xab: {  	_ =	task [dreg:s7], $0x5FFFF  }
0xac: {  	[dreg:$0x1] =	wrdreg $0xFFFFFFFF  }
0xad: {  	[dreg:$0x0] =	wrdreg $0x60  }
0xae: {  	[dreg:$0x2] =	wrdreg s2  }
0xaf: {  	[dreg:$0x3] =	wrdreg s24  }
0xb0: {  	[dreg:$0x4] =	wrdreg $0x9  }
0xb1: {  	_ =	task.clear_ibuf [dreg:s7], $0x5FFFF;
	_ =	strace $0x90000046  }
0xb2: {  	s29 =	simm.s32 $0x9;
	_ =	strace $0x80000048  }
0xb3: {  	_ =	swait.ge [sflag:s29], $0x1  }
0xb4: {  	[sflag:s29] =	ssyncadd.s32 $0xFFFFFFFF  }
0xb5: {  	_ =	strace $0x90000048  }
0xb6: {  	_ =	sfence  }
0xb7: {  	s30 =	sld [smem:$0x0];
	_ =	sdelay $0x2  }
0xb8: {  	s31 =	sshll.u32 s1, $0xD;
	s1 =	sshrl.u32 s1, $0x2  }
0xb9: {  	s3 =	sand.u32 $0x4000, s31;
	s1 =	sadd.s32 s1, s30  }
0xba: {  	s0 =	sor.u32 s3, s0;
	s1 =	sshll.u32 s1, $0x11  }
0xbb: {  	s0 =	sor.u32 s1, s0  }
0xbc: {  	s0 =	sadd.s32 $0x8F2B, s0  }
0xbd: {  	[sflag:s0] =	ssyncadd.remote.s32 $0x1  }
0xbe: {  	_ =	sfence.sel $0xFFFF  }
0xbf: {  	[dreg:$0x0] =	wrdreg $0xFFFFFFFF;
	(pc) =	sbr.abs _section_cstart, $3  }
0xc0: {  	[dreg:$0x1] =	wrdreg $0xFFFFFFFF  }
0xc1: {  	_ =	task.clear_ibuf [dreg:s7], $0x2FFFF;
	_ =	strace $0x9FFFFFFF  }
0xc2: {  	(tm) =	ssettm $0x7FFFFFFF  }
0xc3: {  	_ =	shalt  }
tec
execute0_lowered:
.L_overlay_start_1:
0x0: {  	(tag) =	ssettag $0x1  }
0x1: {  	s3 =	rddreg [dreg:$0x0]  }
0x2: {  	s0 =	rddreg [dreg:$0x1];
	s1 =	srdreg.scid  }
0x3: {  	s21 =	rddreg [dreg:$0x2];
	s4 =	stileid.u32;
	s2 =	simm.s32 $0x0  }
0x4: {  	s26 =	simm.s32 $0x880;
	s6 =	simm.s32 $0x1880;
	s7 =	simm.s32 $0x2080  }
0x5: {  	s8 =	simm.s32 $0x2880;
	[smem:$0x7FF] =	sst s2;
	s23 =	sadd.s32 $0x600, s0  }
0x6: {  	s9 =	simm.s32 $0x3080;
	_ =	strace $0x80000047;
	[dreg:$0x3] =	wrdreg s23  }
0x7: {  	s10 =	simm.s32 $0x3880;
	s11 =	simm.s32 $0x4080;
	[dreg:$0x8] =	wrdreg s26  }
0x8: {  	s12 =	simm.s32 $0x4880;
	s13 =	simm.s32 $0x5080;
	[dreg:$0xa] =	wrdreg s6  }
0x9: {  	s14 =	simm.s32 $0x5880;
	s15 =	simm.s32 $0x6080;
	[dreg:$0xb] =	wrdreg s7  }
0xa: {  	s16 =	simm.s32 $0x6880;
	s17 =	simm.s32 $0x7080;
	[dreg:$0xc] =	wrdreg s8  }
0xb: {  	s18 =	simm.s32 $0x7880;
	s19 =	simm.s32 $0x8080;
	[dreg:$0xd] =	wrdreg s9  }
0xc: {  	s20 =	simm.s32 $0x8880;
	s22 =	simm.s32 $0x9080;
	[dreg:$0xe] =	wrdreg s10  }
0xd: {  	s31 =	simm.s32 $0x2;
	p0 =	por $0x0, $0x0;
	[dreg:$0xf] =	wrdreg s11  }
0xe: {  	s28 =	simm.s32 $0xE080;
	s29 =	simm.s32 $0xE880;
	[dreg:$0x10] =	wrdreg s12  }
0xf: {  	s30 =	simm.s32 $0xF080;
	s1 =	sand.u32 $0x1, s1;
	[dreg:$0x11] =	wrdreg s13  }
0x10: {  	s4 =	sshll.u32 s4, $0x10;
	s5 =	sshll.u32 s1, $0xF;
	[dreg:$0x12] =	wrdreg s14  }
0x11: {  	s1 =	ssub.s32 $0x2, s1;
	s6 =	sadd.s32 $0x180, s3;
	[dreg:$0x13] =	wrdreg s15  }
0x12: {  	s7 =	sadd.s32 $0x200, s3;
	s8 =	sadd.s32 $0x280, s3;
	[dreg:$0x14] =	wrdreg s16  }
0x13: {  	s9 =	sadd.s32 $0x300, s3;
	s10 =	sadd.s32 $0x380, s3;
	[dreg:$0x15] =	wrdreg s17  }
0x14: {  	s11 =	sadd.s32 $0x400, s3;
	s12 =	sadd.s32 $0x480, s3;
	[dreg:$0x16] =	wrdreg s18  }
0x15: {  	s13 =	sadd.s32 $0x500, s3;
	s14 =	sadd.s32 $0x580, s3;
	[dreg:$0x17] =	wrdreg s19  }
0x16: {  	s15 =	sadd.s32 $0x600, s3;
	s16 =	sadd.s32 $0x680, s3;
	[dreg:$0x18] =	wrdreg s20  }
0x17: {  	s17 =	sadd.s32 $0x700, s3;
	s19 =	sadd.s32 $0x780, s3;
	[dreg:$0x19] =	wrdreg s22  }
0x18: {  	s23 =	simm.s32 $0x9880;
	s18 =	simm.s32 $0x80;
	s26 =	simm.s32 $0xB080  }
0x19: {  	s22 =	simm.s32 $0xF880;
	s20 =	simm.s32 $0x1;
	s4 =	sor.u32 s5, s4  }
0x1a: {  	s5 =	sshrl.u32 s1, $0x1;
	[dreg:$0x1a] =	wrdreg s23;
	s0 =	sadd.s32 s4, s0  }
0x1b: {  	[dreg:$0x1d] =	wrdreg s26;
	s23 =	simm.s32 $0xC080;
	s4 =	sadd.s32 $0x800, s0  }
0x1c: {  	s1 =	ssub.s32 s1, s5;
	s24 =	sadd.s32 $0x2800, s0;
	[dreg:$0x4] =	wrdreg s4  }
0x1d: {  	s25 =	sadd.s32 $0x4800, s0;
	s1 =	smax.u32 s1, $0x1;
	[dreg:$0x5] =	wrdreg s24  }
0x1e: {  	s0 =	sadd.s32 $0x6800, s0;
	[dreg:$0x6] =	wrdreg s25;
	p1 =	sne.s32 s1, $0x1  }
.Ltmp0:
0x1f: {  	s26 =	simm.s32 $0xD880;
	[dreg:$0x7] =	wrdreg s0;
	(pc) =	sbr.rel @!p1 .LBB2_1-.Ltmp0, $4  }
0x20: {  	s4 =	simm.s32 $0x1080;
	s0 =	sadd.s32 $0xFFFFFFFF, s1;
	s1 =	rddreg [dreg:$0x3]  }
0x21: {  	v1 =	vlaneseq.u32;
	s5 =	sadd.s32 $0x100, s3;
	s24 =	simm.s32 $0xA080;
	[dreg:$0x9] =	wrdreg s4  }
0x22: {  	vm0 =	vmmov $0xffff;
	v0 =	vshrl.u32 v1, $0x3;
	s25 =	simm.s32 $0xA880;
	s4 =	sadd.s32 $0x80, s3;
	[dreg:$0x1b] =	wrdreg s24  }
0x23: {  	v2 =	vand.u32 $0x7, v1;
	v1 =	vor.u32 $0x8, v1;
	v0 =	vmul.u32 $0x4, v0;
	[dreg:$0x1c] =	wrdreg s25;
	s24 =	simm.s32 $0xC880;
	s25 =	simm.s32 $0xD080  }
0x24: {  	[tilespmem:s2], [sflag:$0x2] =	stream.linear.gather [hbm4b:s1+s2], $0x80, $0x38;
	[tilespmem:$0x10080] =	vst v63  }
0x25: {  	_ =	swait.ge [sflag:s31], $0x80  }
0x26: {  	[sflag:s31] =	ssyncset.done $0x0  }
0x27: {  	[sflag:s31] =	ssyncadd.s32 $0xFFFFFF80  }
0x28: {  	v3 =	vld [tilespmem:$0x0];
	_ =	sdelay $0x4  }
0x29: {  	v4 =	vshll.u32 v3, $0x5  }
0x2a: {  	v3 =	vand.u32 $0x3, v3;
	v4 =	vand.u32 $0xFFFFFF80, v4  }
0x2b: {  	v3 =	vor.u32 v3, v4  }
0x2c: {  	v4 =	vperm.xlane v3, v2;
	_ =	sdelay $0x1  }
0x2d: {  	v4 =	vadd.s32 v0, v4;
	_ =	sdelay $0x4  }
0x2e: {  	[tilespmem:s18], [sflag:$0x1] =	stream.indirect_vreg.gather [hbm4b:s3+s2], $0x80, v4, vm0, $0xb8;
	[tilespmem:$0x10080] =	vst v63  }
0x2f: {  	s1 =	rddreg [dreg:$0x8]  }
0x30: {  	[tilespmem:s1], [sflag:$0x1] =	stream.indirect_vreg.gather [hbm4b:s4+s2], $0x80, v4, vm0, $0xb8;
	[tilespmem:$0x10080] =	vst v63  }
0x31: {  	s21 =	smov.u32 s0;
	s0 =	rddreg [dreg:$0x9]  }
0x32: {  	[tilespmem:s0], [sflag:$0x1] =	stream.indirect_vreg.gather [hbm4b:s5+s2], $0x80, v4, vm0, $0xb8;
	[tilespmem:$0x10080] =	vst v63  }
0x33: {  	s1 =	rddreg [dreg:$0xa]  }
0x34: {  	[tilespmem:s1], [sflag:$0x1] =	stream.indirect_vreg.gather [hbm4b:s6+s2], $0x80, v4, vm0, $0xb8;
	[tilespmem:$0x10080] =	vst v63  }
0x35: {  	s0 =	rddreg [dreg:$0xb]  }
0x36: {  	[tilespmem:s0], [sflag:$0x1] =	stream.indirect_vreg.gather [hbm4b:s7+s2], $0x80, v4, vm0, $0xb8;
	[tilespmem:$0x10080] =	vst v63  }
0x37: {  	s1 =	rddreg [dreg:$0xc]  }
0x38: {  	[tilespmem:s1], [sflag:$0x1] =	stream.indirect_vreg.gather [hbm4b:s8+s2], $0x80, v4, vm0, $0xb8;
	[tilespmem:$0x10080] =	vst v63  }
0x39: {  	s0 =	rddreg [dreg:$0xd]  }
0x3a: {  	[tilespmem:s0], [sflag:$0x1] =	stream.indirect_vreg.gather [hbm4b:s9+s2], $0x80, v4, vm0, $0xb8;
	[tilespmem:$0x10080] =	vst v63  }
0x3b: {  	s1 =	rddreg [dreg:$0xe]  }
0x3c: {  	[tilespmem:s1], [sflag:$0x1] =	stream.indirect_vreg.gather [hbm4b:s10+s2], $0x80, v4, vm0, $0xb8;
	[tilespmem:$0x10080] =	vst v63  }
0x3d: {  	s0 =	rddreg [dreg:$0xf]  }
0x3e: {  	[tilespmem:s0], [sflag:$0x1] =	stream.indirect_vreg.gather [hbm4b:s11+s2], $0x80, v4, vm0, $0xb8;
	[tilespmem:$0x10080] =	vst v63  }
0x3f: {  	s1 =	rddreg [dreg:$0x10]  }
0x40: {  	[tilespmem:s1], [sflag:$0x1] =	stream.indirect_vreg.gather [hbm4b:s12+s2], $0x80, v4, vm0, $0xb8;
	[tilespmem:$0x10080] =	vst v63  }
0x41: {  	s0 =	rddreg [dreg:$0x11]  }
0x42: {  	[tilespmem:s0], [sflag:$0x1] =	stream.indirect_vreg.gather [hbm4b:s13+s2], $0x80, v4, vm0, $0xb8;
	[tilespmem:$0x10080] =	vst v63  }
0x43: {  	s1 =	rddreg [dreg:$0x12]  }
0x44: {  	[tilespmem:s1], [sflag:$0x1] =	stream.indirect_vreg.gather [hbm4b:s14+s2], $0x80, v4, vm0, $0xb8;
	[tilespmem:$0x10080] =	vst v63  }
0x45: {  	s0 =	rddreg [dreg:$0x13]  }
0x46: {  	[tilespmem:s0], [sflag:$0x1] =	stream.indirect_vreg.gather [hbm4b:s15+s2], $0x80, v4, vm0, $0xb8;
	[tilespmem:$0x10080] =	vst v63  }
0x47: {  	v3 =	vperm.xlane v3, v1;
	s1 =	rddreg [dreg:$0x14]  }
0x48: {  	[tilespmem:s1], [sflag:$0x1] =	stream.indirect_vreg.gather [hbm4b:s16+s2], $0x80, v4, vm0, $0xb8;
	[tilespmem:$0x10080] =	vst v63  }
0x49: {  	v3 =	vadd.s32 v0, v3;
	s0 =	rddreg [dreg:$0x15]  }
0x4a: {  	[tilespmem:s0], [sflag:$0x1] =	stream.indirect_vreg.gather [hbm4b:s17+s2], $0x80, v4, vm0, $0xb8;
	[tilespmem:$0x10080] =	vst v63  }
0x4b: {  	s1 =	rddreg [dreg:$0x16]  }
0x4c: {  	[tilespmem:s1], [sflag:$0x1] =	stream.indirect_vreg.gather [hbm4b:s19+s2], $0x80, v4, vm0, $0xb8;
	[tilespmem:$0x10080] =	vst v63  }
0x4d: {  	s0 =	rddreg [dreg:$0x17]  }
0x4e: {  	[tilespmem:s0], [sflag:$0x1] =	stream.indirect_vreg.gather [hbm4b:s3+s2], $0x80, v3, vm0, $0xb8;
	[tilespmem:$0x10080] =	vst v63  }
0x4f: {  	s1 =	rddreg [dreg:$0x18]  }
0x50: {  	[tilespmem:s1], [sflag:$0x1] =	stream.indirect_vreg.gather [hbm4b:s4+s2], $0x80, v3, vm0, $0xb8;
	[tilespmem:$0x10080] =	vst v63  }
0x51: {  	s0 =	rddreg [dreg:$0x19]  }
0x52: {  	[tilespmem:s0], [sflag:$0x1] =	stream.indirect_vreg.gather [hbm4b:s5+s2], $0x80, v3, vm0, $0xb8;
	[tilespmem:$0x10080] =	vst v63  }
0x53: {  	s1 =	rddreg [dreg:$0x1a]  }
0x54: {  	[tilespmem:s1], [sflag:$0x1] =	stream.indirect_vreg.gather [hbm4b:s6+s2], $0x80, v3, vm0, $0xb8;
	[tilespmem:$0x10080] =	vst v63  }
0x55: {  	s0 =	rddreg [dreg:$0x1b]  }
0x56: {  	[tilespmem:s0], [sflag:$0x1] =	stream.indirect_vreg.gather [hbm4b:s7+s2], $0x80, v3, vm0, $0xb8;
	[tilespmem:$0x10080] =	vst v63  }
0x57: {  	s1 =	rddreg [dreg:$0x1c]  }
0x58: {  	[tilespmem:s1], [sflag:$0x1] =	stream.indirect_vreg.gather [hbm4b:s8+s2], $0x80, v3, vm0, $0xb8;
	[tilespmem:$0x10080] =	vst v63  }
0x59: {  	s0 =	rddreg [dreg:$0x1d]  }
0x5a: {  	[tilespmem:s0], [sflag:$0x1] =	stream.indirect_vreg.gather [hbm4b:s9+s2], $0x80, v3, vm0, $0xb8;
	[tilespmem:$0x10080] =	vst v63  }
0x5b: {  	s1 =	simm.s32 $0xB880  }
0x5c: {  	[tilespmem:s1], [sflag:$0x1] =	stream.indirect_vreg.gather [hbm4b:s10+s2], $0x80, v3, vm0, $0xb8;
	[tilespmem:$0x10080] =	vst v63  }
0x5d: {  	_ = 	snop  }
0x5e: {  	[tilespmem:s23], [sflag:$0x1] =	stream.indirect_vreg.gather [hbm4b:s11+s2], $0x80, v3, vm0, $0xb8;
	[tilespmem:$0x10080] =	vst v63  }
0x5f: {  	_ = 	snop  }
0x60: {  	[tilespmem:s24], [sflag:$0x1] =	stream.indirect_vreg.gather [hbm4b:s12+s2], $0x80, v3, vm0, $0xb8;
	[tilespmem:$0x10080] =	vst v63  }
0x61: {  	_ = 	snop  }
0x62: {  	[tilespmem:s25], [sflag:$0x1] =	stream.indirect_vreg.gather [hbm4b:s13+s2], $0x80, v3, vm0, $0xb8;
	[tilespmem:$0x10080] =	vst v63  }
0x63: {  	_ = 	snop  }
0x64: {  	[tilespmem:s26], [sflag:$0x1] =	stream.indirect_vreg.gather [hbm4b:s14+s2], $0x80, v3, vm0, $0xb8;
	[tilespmem:$0x10080] =	vst v63  }
0x65: {  	_ = 	snop  }
0x66: {  	[tilespmem:s28], [sflag:$0x1] =	stream.indirect_vreg.gather [hbm4b:s15+s2], $0x80, v3, vm0, $0xb8;
	[tilespmem:$0x10080] =	vst v63  }
0x67: {  	_ = 	snop  }
0x68: {  	[tilespmem:s29], [sflag:$0x1] =	stream.indirect_vreg.gather [hbm4b:s16+s2], $0x80, v3, vm0, $0xb8;
	[tilespmem:$0x10080] =	vst v63  }
0x69: {  	_ = 	snop  }
0x6a: {  	[tilespmem:s30], [sflag:$0x1] =	stream.indirect_vreg.gather [hbm4b:s17+s2], $0x80, v3, vm0, $0xb8;
	[tilespmem:$0x10080] =	vst v63  }
0x6b: {  	_ = 	snop  }
0x6c: {  	[tilespmem:s22], [sflag:$0x1] =	stream.indirect_vreg.gather [hbm4b:s19+s2], $0x80, v3, vm0, $0xb8;
	[tilespmem:$0x10080] =	vst v63  }
0x6d: {  	_ =	swait.ge [sflag:s20], $0x10000  }
0x6e: {  	[sflag:s20] =	ssyncset.done $0x0  }
0x6f: {  	s0 =	rddreg [dreg:$0x4];
	[sflag:s20] =	ssyncadd.s32 $0xFFFF0000  }
0x70: {  	[hbm4b:s0+s2] =	stream.linear.scatter [tilespmem:s18], [sflag:$0x1], $0x10000, $0x38;
	[tilespmem:$0x10080] =	vst v63  }
0x71: {  	s1 =	rddreg [dreg:$0x5]  }
0x72: {  	[hbm4b:s1+s2] =	stream.linear.scatter [tilespmem:s18], [sflag:$0x1], $0x10000, $0x38;
	[tilespmem:$0x10080] =	vst v63  }
0x73: {  	s0 =	rddreg [dreg:$0x6]  }
0x74: {  	[hbm4b:s0+s2] =	stream.linear.scatter [tilespmem:s18], [sflag:$0x1], $0x10000, $0x38;
	[tilespmem:$0x10080] =	vst v63  }
0x75: {  	s1 =	rddreg [dreg:$0x7]  }
0x76: {  	[hbm4b:s1+s2] =	stream.linear.scatter [tilespmem:s18], [sflag:$0x1], $0x10000, $0x38;
	[tilespmem:$0x10080] =	vst v63  }
0x77: {  	_ =	swait.ge [sflag:s20], $0x10000  }
0x78: {  	[sflag:s20] =	ssyncset.done $0x0  }
0x79: {  	[sflag:s20] =	ssyncadd.s32 $0xFFFF0000  }
0x7a: {  	_ =	swait.ge [sflag:s20], $0x10000  }
0x7b: {  	[sflag:s20] =	ssyncset.done $0x0  }
0x7c: {  	p1 =	sne.s32 s21, $0x1;
	[sflag:s20] =	ssyncadd.s32 $0xFFFF0000  }
.Ltmp1:
0x7d: {  	_ =	swait.ge [sflag:s20], $0x10000;
	(pc) =	sbr.rel @!p1 .LBB2_3-.Ltmp1, $4  }
0x7e: {  	[sflag:s20] =	ssyncset.done $0x0  }
0x7f: {  	[sflag:s20] =	ssyncadd.s32 $0xFFFF0000  }
0x80: {  	p0 =	por $0x1, $0x1;
	_ =	swait.ge [sflag:s20], $0x10000  }
0x81: {  	s0 =	sadd.s32 $0xFFFFFFFF, s21;
	s1 =	rddreg [dreg:$0x3];
	[sflag:s20] =	ssyncset.done $0x0  }
.LBB2_4:
0x82: {  	[sflag:s20] =	ssyncadd.s32 $0xFFFF0000  }
0x83: {  	[tilespmem:s2], [sflag:$0x2] =	stream.linear.gather [hbm4b:s1+s2], $0x80, $0x38;
	[tilespmem:$0x10080] =	vst v63  }
0x84: {  	_ =	swait.ge [sflag:s31], $0x80  }
0x85: {  	[sflag:s31] =	ssyncset.done $0x0  }
0x86: {  	[sflag:s31] =	ssyncadd.s32 $0xFFFFFF80  }
0x87: {  	v3 =	vld [tilespmem:$0x0];
	_ =	sdelay $0x4  }
0x88: {  	v4 =	vshll.u32 v3, $0x5  }
0x89: {  	v3 =	vand.u32 $0x3, v3;
	v4 =	vand.u32 $0xFFFFFF80, v4  }
0x8a: {  	v3 =	vor.u32 v3, v4  }
0x8b: {  	v4 =	vperm.xlane v3, v2;
	_ =	sdelay $0x1  }
0x8c: {  	v4 =	vadd.s32 v0, v4;
	_ =	sdelay $0x4  }
0x8d: {  	[tilespmem:s18], [sflag:$0x1] =	stream.indirect_vreg.gather [hbm4b:s3+s2], $0x80, v4, vm0, $0xb8;
	[tilespmem:$0x10080] =	vst v63  }
0x8e: {  	s1 =	rddreg [dreg:$0x8]  }
0x8f: {  	[tilespmem:s1], [sflag:$0x1] =	stream.indirect_vreg.gather [hbm4b:s4+s2], $0x80, v4, vm0, $0xb8;
	[tilespmem:$0x10080] =	vst v63  }
0x90: {  	s21 =	rddreg [dreg:$0x9]  }
0x91: {  	[tilespmem:s21], [sflag:$0x1] =	stream.indirect_vreg.gather [hbm4b:s5+s2], $0x80, v4, vm0, $0xb8;
	[tilespmem:$0x10080] =	vst v63  }
0x92: {  	s1 =	rddreg [dreg:$0xa]  }
0x93: {  	[tilespmem:s1], [sflag:$0x1] =	stream.indirect_vreg.gather [hbm4b:s6+s2], $0x80, v4, vm0, $0xb8;
	[tilespmem:$0x10080] =	vst v63  }
0x94: {  	s21 =	rddreg [dreg:$0xb]  }
0x95: {  	[tilespmem:s21], [sflag:$0x1] =	stream.indirect_vreg.gather [hbm4b:s7+s2], $0x80, v4, vm0, $0xb8;
	[tilespmem:$0x10080] =	vst v63  }
0x96: {  	s1 =	rddreg [dreg:$0xc]  }
0x97: {  	[tilespmem:s1], [sflag:$0x1] =	stream.indirect_vreg.gather [hbm4b:s8+s2], $0x80, v4, vm0, $0xb8;
	[tilespmem:$0x10080] =	vst v63  }
0x98: {  	s21 =	rddreg [dreg:$0xd]  }
0x99: {  	[tilespmem:s21], [sflag:$0x1] =	stream.indirect_vreg.gather [hbm4b:s9+s2], $0x80, v4, vm0, $0xb8;
	[tilespmem:$0x10080] =	vst v63  }
0x9a: {  	s1 =	rddreg [dreg:$0xe]  }
0x9b: {  	[tilespmem:s1], [sflag:$0x1] =	stream.indirect_vreg.gather [hbm4b:s10+s2], $0x80, v4, vm0, $0xb8;
	[tilespmem:$0x10080] =	vst v63  }
0x9c: {  	s21 =	rddreg [dreg:$0xf]  }
0x9d: {  	[tilespmem:s21], [sflag:$0x1] =	stream.indirect_vreg.gather [hbm4b:s11+s2], $0x80, v4, vm0, $0xb8;
	[tilespmem:$0x10080] =	vst v63  }
0x9e: {  	s1 =	rddreg [dreg:$0x10]  }
0x9f: {  	[tilespmem:s1], [sflag:$0x1] =	stream.indirect_vreg.gather [hbm4b:s12+s2], $0x80, v4, vm0, $0xb8;
	[tilespmem:$0x10080] =	vst v63  }
0xa0: {  	s21 =	rddreg [dreg:$0x11]  }
0xa1: {  	[tilespmem:s21], [sflag:$0x1] =	stream.indirect_vreg.gather [hbm4b:s13+s2], $0x80, v4, vm0, $0xb8;
	[tilespmem:$0x10080] =	vst v63  }
0xa2: {  	s1 =	rddreg [dreg:$0x12]  }
0xa3: {  	[tilespmem:s1], [sflag:$0x1] =	stream.indirect_vreg.gather [hbm4b:s14+s2], $0x80, v4, vm0, $0xb8;
	[tilespmem:$0x10080] =	vst v63  }
0xa4: {  	s21 =	rddreg [dreg:$0x13]  }
0xa5: {  	[tilespmem:s21], [sflag:$0x1] =	stream.indirect_vreg.gather [hbm4b:s15+s2], $0x80, v4, vm0, $0xb8;
	[tilespmem:$0x10080] =	vst v63  }
0xa6: {  	v3 =	vperm.xlane v3, v1;
	s1 =	rddreg [dreg:$0x14]  }
0xa7: {  	[tilespmem:s1], [sflag:$0x1] =	stream.indirect_vreg.gather [hbm4b:s16+s2], $0x80, v4, vm0, $0xb8;
	[tilespmem:$0x10080] =	vst v63  }
0xa8: {  	v3 =	vadd.s32 v0, v3;
	s21 =	rddreg [dreg:$0x15]  }
0xa9: {  	[tilespmem:s21], [sflag:$0x1] =	stream.indirect_vreg.gather [hbm4b:s17+s2], $0x80, v4, vm0, $0xb8;
	[tilespmem:$0x10080] =	vst v63  }
0xaa: {  	s1 =	rddreg [dreg:$0x16]  }
0xab: {  	[tilespmem:s1], [sflag:$0x1] =	stream.indirect_vreg.gather [hbm4b:s19+s2], $0x80, v4, vm0, $0xb8;
	[tilespmem:$0x10080] =	vst v63  }
0xac: {  	s21 =	rddreg [dreg:$0x17]  }
0xad: {  	[tilespmem:s21], [sflag:$0x1] =	stream.indirect_vreg.gather [hbm4b:s3+s2], $0x80, v3, vm0, $0xb8;
	[tilespmem:$0x10080] =	vst v63  }
0xae: {  	s1 =	rddreg [dreg:$0x18]  }
0xaf: {  	[tilespmem:s1], [sflag:$0x1] =	stream.indirect_vreg.gather [hbm4b:s4+s2], $0x80, v3, vm0, $0xb8;
	[tilespmem:$0x10080] =	vst v63  }
0xb0: {  	s21 =	rddreg [dreg:$0x19]  }
0xb1: {  	[tilespmem:s21], [sflag:$0x1] =	stream.indirect_vreg.gather [hbm4b:s5+s2], $0x80, v3, vm0, $0xb8;
	[tilespmem:$0x10080] =	vst v63  }
0xb2: {  	s1 =	rddreg [dreg:$0x1a]  }
0xb3: {  	[tilespmem:s1], [sflag:$0x1] =	stream.indirect_vreg.gather [hbm4b:s6+s2], $0x80, v3, vm0, $0xb8;
	[tilespmem:$0x10080] =	vst v63  }
0xb4: {  	s21 =	rddreg [dreg:$0x1b]  }
0xb5: {  	[tilespmem:s21], [sflag:$0x1] =	stream.indirect_vreg.gather [hbm4b:s7+s2], $0x80, v3, vm0, $0xb8;
	[tilespmem:$0x10080] =	vst v63  }
0xb6: {  	s1 =	rddreg [dreg:$0x1c]  }
0xb7: {  	[tilespmem:s1], [sflag:$0x1] =	stream.indirect_vreg.gather [hbm4b:s8+s2], $0x80, v3, vm0, $0xb8;
	[tilespmem:$0x10080] =	vst v63  }
0xb8: {  	s21 =	rddreg [dreg:$0x1d]  }
0xb9: {  	[tilespmem:s21], [sflag:$0x1] =	stream.indirect_vreg.gather [hbm4b:s9+s2], $0x80, v3, vm0, $0xb8;
	[tilespmem:$0x10080] =	vst v63  }
0xba: {  	s21 =	simm.s32 $0xB880  }
0xbb: {  	[tilespmem:s21], [sflag:$0x1] =	stream.indirect_vreg.gather [hbm4b:s10+s2], $0x80, v3, vm0, $0xb8;
	[tilespmem:$0x10080] =	vst v63  }
0xbc: {  	_ = 	snop  }
0xbd: {  	[tilespmem:s23], [sflag:$0x1] =	stream.indirect_vreg.gather [hbm4b:s11+s2], $0x80, v3, vm0, $0xb8;
	[tilespmem:$0x10080] =	vst v63  }
0xbe: {  	_ = 	snop  }
0xbf: {  	[tilespmem:s24], [sflag:$0x1] =	stream.indirect_vreg.gather [hbm4b:s12+s2], $0x80, v3, vm0, $0xb8;
	[tilespmem:$0x10080] =	vst v63  }
0xc0: {  	_ = 	snop  }
0xc1: {  	[tilespmem:s25], [sflag:$0x1] =	stream.indirect_vreg.gather [hbm4b:s13+s2], $0x80, v3, vm0, $0xb8;
	[tilespmem:$0x10080] =	vst v63  }
0xc2: {  	_ = 	snop  }
0xc3: {  	[tilespmem:s26], [sflag:$0x1] =	stream.indirect_vreg.gather [hbm4b:s14+s2], $0x80, v3, vm0, $0xb8;
	[tilespmem:$0x10080] =	vst v63  }
0xc4: {  	_ = 	snop  }
0xc5: {  	[tilespmem:s28], [sflag:$0x1] =	stream.indirect_vreg.gather [hbm4b:s15+s2], $0x80, v3, vm0, $0xb8;
	[tilespmem:$0x10080] =	vst v63  }
0xc6: {  	_ = 	snop  }
0xc7: {  	[tilespmem:s29], [sflag:$0x1] =	stream.indirect_vreg.gather [hbm4b:s16+s2], $0x80, v3, vm0, $0xb8;
	[tilespmem:$0x10080] =	vst v63  }
0xc8: {  	_ = 	snop  }
0xc9: {  	[tilespmem:s30], [sflag:$0x1] =	stream.indirect_vreg.gather [hbm4b:s17+s2], $0x80, v3, vm0, $0xb8;
	[tilespmem:$0x10080] =	vst v63  }
0xca: {  	_ = 	snop  }
0xcb: {  	[tilespmem:s22], [sflag:$0x1] =	stream.indirect_vreg.gather [hbm4b:s19+s2], $0x80, v3, vm0, $0xb8;
	[tilespmem:$0x10080] =	vst v63  }
0xcc: {  	_ =	swait.ge [sflag:s20], $0x10000  }
0xcd: {  	[sflag:s20] =	ssyncset.done $0x0  }
0xce: {  	s1 =	rddreg [dreg:$0x4];
	[sflag:s20] =	ssyncadd.s32 $0xFFFF0000  }
0xcf: {  	[hbm4b:s1+s2] =	stream.linear.scatter [tilespmem:s18], [sflag:$0x1], $0x10000, $0x38;
	[tilespmem:$0x10080] =	vst v63  }
0xd0: {  	s21 =	rddreg [dreg:$0x5]  }
0xd1: {  	[hbm4b:s21+s2] =	stream.linear.scatter [tilespmem:s18], [sflag:$0x1], $0x10000, $0x38;
	[tilespmem:$0x10080] =	vst v63  }
0xd2: {  	s1 =	rddreg [dreg:$0x6]  }
0xd3: {  	[hbm4b:s1+s2] =	stream.linear.scatter [tilespmem:s18], [sflag:$0x1], $0x10000, $0x38;
	[tilespmem:$0x10080] =	vst v63  }
0xd4: {  	s21 =	rddreg [dreg:$0x7]  }
0xd5: {  	[hbm4b:s21+s2] =	stream.linear.scatter [tilespmem:s18], [sflag:$0x1], $0x10000, $0x38;
	[tilespmem:$0x10080] =	vst v63  }
0xd6: {  	_ =	swait.ge [sflag:s20], $0x10000  }
0xd7: {  	[sflag:s20] =	ssyncset.done $0x0  }
0xd8: {  	[sflag:s20] =	ssyncadd.s32 $0xFFFF0000  }
0xd9: {  	_ =	swait.ge [sflag:s20], $0x10000  }
0xda: {  	[sflag:s20] =	ssyncset.done $0x0  }
0xdb: {  	p1 =	sne.s32 s0, $0x1;
	[sflag:s20] =	ssyncadd.s32 $0xFFFF0000  }
.Ltmp2:
0xdc: {  	_ =	swait.ge [sflag:s20], $0x10000;
	(pc) =	sbr.rel @p1 .LBB2_4-.Ltmp2, $4  }
0xdd: {  	[sflag:s20] =	ssyncset.done $0x0  }
0xde: {  	[sflag:s20] =	ssyncadd.s32 $0xFFFF0000  }
0xdf: {  	_ =	swait.ge [sflag:s20], $0x10000  }
0xe0: {  	s0 =	sadd.s32 $0xFFFFFFFF, s0;
	s1 =	rddreg [dreg:$0x3];
	[sflag:s20] =	ssyncset.done $0x0  }
0xe1: {  	s30 =	simm.s32 $0xF080;
	s29 =	simm.s32 $0xE880;
	s28 =	simm.s32 $0xE080  }
0xe2: {  	s26 =	simm.s32 $0xD880;
	s25 =	simm.s32 $0xD080;
	s24 =	simm.s32 $0xC880  }
0xe3: {  	s23 =	simm.s32 $0xC080;
	s22 =	simm.s32 $0xB880;
	s21 =	rddreg [dreg:$0x2]  }
.LBB2_6:
0xe4: {  	[sflag:s20] =	ssyncadd.s32 @p0 $0xFFFF0000  }
0xe5: {  	[tilespmem:s2], [sflag:$0x2] =	stream.linear.gather [hbm4b:s1+s2], $0x80, $0x38;
	[tilespmem:$0x10080] =	vst v63  }
0xe6: {  	_ =	swait.ge [sflag:s31], $0x80  }
0xe7: {  	[sflag:s31] =	ssyncset.done $0x0  }
0xe8: {  	[sflag:s31] =	ssyncadd.s32 $0xFFFFFF80  }
0xe9: {  	v3 =	vld [tilespmem:$0x0];
	_ =	sdelay $0x4  }
0xea: {  	v4 =	vshll.u32 v3, $0x5  }
0xeb: {  	v3 =	vand.u32 $0x3, v3;
	v4 =	vand.u32 $0xFFFFFF80, v4  }
0xec: {  	v3 =	vor.u32 v3, v4  }
0xed: {  	v2 =	vperm.xlane v3, v2;
	_ =	sdelay $0x1  }
0xee: {  	v2 =	vadd.s32 v0, v2;
	_ =	sdelay $0x4  }
0xef: {  	[tilespmem:s18], [sflag:$0x1] =	stream.indirect_vreg.gather [hbm4b:s3+s2], $0x80, v2, vm0, $0xb8;
	[tilespmem:$0x10080] =	vst v63  }
0xf0: {  	s0 =	rddreg [dreg:$0x8]  }
0xf1: {  	[tilespmem:s0], [sflag:$0x1] =	stream.indirect_vreg.gather [hbm4b:s4+s2], $0x80, v2, vm0, $0xb8;
	[tilespmem:$0x10080] =	vst v63  }
0xf2: {  	s1 =	rddreg [dreg:$0x9]  }
0xf3: {  	[tilespmem:s1], [sflag:$0x1] =	stream.indirect_vreg.gather [hbm4b:s5+s2], $0x80, v2, vm0, $0xb8;
	[tilespmem:$0x10080] =	vst v63  }
0xf4: {  	s31 =	rddreg [dreg:$0xa]  }
0xf5: {  	[tilespmem:s31], [sflag:$0x1] =	stream.indirect_vreg.gather [hbm4b:s6+s2], $0x80, v2, vm0, $0xb8;
	[tilespmem:$0x10080] =	vst v63  }
0xf6: {  	s1 =	rddreg [dreg:$0xb]  }
0xf7: {  	[tilespmem:s1], [sflag:$0x1] =	stream.indirect_vreg.gather [hbm4b:s7+s2], $0x80, v2, vm0, $0xb8;
	[tilespmem:$0x10080] =	vst v63  }
0xf8: {  	s31 =	rddreg [dreg:$0xc]  }
0xf9: {  	[tilespmem:s31], [sflag:$0x1] =	stream.indirect_vreg.gather [hbm4b:s8+s2], $0x80, v2, vm0, $0xb8;
	[tilespmem:$0x10080] =	vst v63  }
0xfa: {  	s1 =	rddreg [dreg:$0xd]  }
0xfb: {  	[tilespmem:s1], [sflag:$0x1] =	stream.indirect_vreg.gather [hbm4b:s9+s2], $0x80, v2, vm0, $0xb8;
	[tilespmem:$0x10080] =	vst v63  }
0xfc: {  	s31 =	rddreg [dreg:$0xe]  }
0xfd: {  	[tilespmem:s31], [sflag:$0x1] =	stream.indirect_vreg.gather [hbm4b:s10+s2], $0x80, v2, vm0, $0xb8;
	[tilespmem:$0x10080] =	vst v63  }
0xfe: {  	s1 =	rddreg [dreg:$0xf]  }
0xff: {  	[tilespmem:s1], [sflag:$0x1] =	stream.indirect_vreg.gather [hbm4b:s11+s2], $0x80, v2, vm0, $0xb8;
	[tilespmem:$0x10080] =	vst v63  }
0x100: {  	s31 =	rddreg [dreg:$0x10]  }
0x101: {  	[tilespmem:s31], [sflag:$0x1] =	stream.indirect_vreg.gather [hbm4b:s12+s2], $0x80, v2, vm0, $0xb8;
	[tilespmem:$0x10080] =	vst v63  }
0x102: {  	s1 =	rddreg [dreg:$0x11]  }
0x103: {  	[tilespmem:s1], [sflag:$0x1] =	stream.indirect_vreg.gather [hbm4b:s13+s2], $0x80, v2, vm0, $0xb8;
	[tilespmem:$0x10080] =	vst v63  }
0x104: {  	s31 =	rddreg [dreg:$0x12]  }
0x105: {  	[tilespmem:s31], [sflag:$0x1] =	stream.indirect_vreg.gather [hbm4b:s14+s2], $0x80, v2, vm0, $0xb8;
	[tilespmem:$0x10080] =	vst v63  }
0x106: {  	s1 =	rddreg [dreg:$0x13]  }
0x107: {  	[tilespmem:s1], [sflag:$0x1] =	stream.indirect_vreg.gather [hbm4b:s15+s2], $0x80, v2, vm0, $0xb8;
	[tilespmem:$0x10080] =	vst v63  }
0x108: {  	v1 =	vperm.xlane v3, v1;
	s31 =	rddreg [dreg:$0x14]  }
0x109: {  	[tilespmem:s31], [sflag:$0x1] =	stream.indirect_vreg.gather [hbm4b:s16+s2], $0x80, v2, vm0, $0xb8;
	[tilespmem:$0x10080] =	vst v63  }
0x10a: {  	v63 =	vadd.s32 v0, v1;
	s1 =	rddreg [dreg:$0x15]  }
0x10b: {  	[tilespmem:s1], [sflag:$0x1] =	stream.indirect_vreg.gather [hbm4b:s17+s2], $0x80, v2, vm0, $0xb8;
	[tilespmem:$0x10080] =	vst v63  }
0x10c: {  	s31 =	rddreg [dreg:$0x16]  }
0x10d: {  	[tilespmem:s31], [sflag:$0x1] =	stream.indirect_vreg.gather [hbm4b:s19+s2], $0x80, v2, vm0, $0xb8;
	[tilespmem:$0x10080] =	vst v63  }
0x10e: {  	s1 =	rddreg [dreg:$0x17]  }
0x10f: {  	[tilespmem:s1], [sflag:$0x1] =	stream.indirect_vreg.gather [hbm4b:s3+s2], $0x80, v63, vm0, $0xb8;
	[tilespmem:$0x10080] =	vst v63  }
0x110: {  	s31 =	rddreg [dreg:$0x18]  }
0x111: {  	[tilespmem:s31], [sflag:$0x1] =	stream.indirect_vreg.gather [hbm4b:s4+s2], $0x80, v63, vm0, $0xb8;
	[tilespmem:$0x10080] =	vst v63  }
0x112: {  	s3 =	rddreg [dreg:$0x19]  }
0x113: {  	[tilespmem:s3], [sflag:$0x1] =	stream.indirect_vreg.gather [hbm4b:s5+s2], $0x80, v63, vm0, $0xb8;
	[tilespmem:$0x10080] =	vst v63  }
0x114: {  	s4 =	rddreg [dreg:$0x1a]  }
0x115: {  	[tilespmem:s4], [sflag:$0x1] =	stream.indirect_vreg.gather [hbm4b:s6+s2], $0x80, v63, vm0, $0xb8;
	[tilespmem:$0x10080] =	vst v63  }
0x116: {  	s5 =	rddreg [dreg:$0x1b]  }
0x117: {  	[tilespmem:s5], [sflag:$0x1] =	stream.indirect_vreg.gather [hbm4b:s7+s2], $0x80, v63, vm0, $0xb8;
	[tilespmem:$0x10080] =	vst v63  }
0x118: {  	s6 =	rddreg [dreg:$0x1c]  }
0x119: {  	[tilespmem:s6], [sflag:$0x1] =	stream.indirect_vreg.gather [hbm4b:s8+s2], $0x80, v63, vm0, $0xb8;
	[tilespmem:$0x10080] =	vst v63  }
0x11a: {  	s7 =	rddreg [dreg:$0x1d]  }
0x11b: {  	[tilespmem:s7], [sflag:$0x1] =	stream.indirect_vreg.gather [hbm4b:s9+s2], $0x80, v63, vm0, $0xb8;
	[tilespmem:$0x10080] =	vst v63  }
0x11c: {  	_ = 	snop  }
0x11d: {  	[tilespmem:s22], [sflag:$0x1] =	stream.indirect_vreg.gather [hbm4b:s10+s2], $0x80, v63, vm0, $0xb8;
	[tilespmem:$0x10080] =	vst v63  }
0x11e: {  	_ = 	snop  }
0x11f: {  	[tilespmem:s23], [sflag:$0x1] =	stream.indirect_vreg.gather [hbm4b:s11+s2], $0x80, v63, vm0, $0xb8;
	[tilespmem:$0x10080] =	vst v63  }
0x120: {  	_ = 	snop  }
0x121: {  	[tilespmem:s24], [sflag:$0x1] =	stream.indirect_vreg.gather [hbm4b:s12+s2], $0x80, v63, vm0, $0xb8;
	[tilespmem:$0x10080] =	vst v63  }
0x122: {  	_ = 	snop  }
0x123: {  	[tilespmem:s25], [sflag:$0x1] =	stream.indirect_vreg.gather [hbm4b:s13+s2], $0x80, v63, vm0, $0xb8;
	[tilespmem:$0x10080] =	vst v63  }
0x124: {  	_ = 	snop  }
0x125: {  	[tilespmem:s26], [sflag:$0x1] =	stream.indirect_vreg.gather [hbm4b:s14+s2], $0x80, v63, vm0, $0xb8;
	[tilespmem:$0x10080] =	vst v63  }
0x126: {  	_ = 	snop  }
0x127: {  	[tilespmem:s28], [sflag:$0x1] =	stream.indirect_vreg.gather [hbm4b:s15+s2], $0x80, v63, vm0, $0xb8;
	[tilespmem:$0x10080] =	vst v63  }
0x128: {  	_ = 	snop  }
0x129: {  	[tilespmem:s29], [sflag:$0x1] =	stream.indirect_vreg.gather [hbm4b:s16+s2], $0x80, v63, vm0, $0xb8;
	[tilespmem:$0x10080] =	vst v63  }
0x12a: {  	_ = 	snop  }
0x12b: {  	[tilespmem:s30], [sflag:$0x1] =	stream.indirect_vreg.gather [hbm4b:s17+s2], $0x80, v63, vm0, $0xb8;
	[tilespmem:$0x10080] =	vst v63  }
0x12c: {  	s25 =	simm.s32 $0xF880  }
0x12d: {  	[tilespmem:s25], [sflag:$0x1] =	stream.indirect_vreg.gather [hbm4b:s19+s2], $0x80, v63, vm0, $0xb8;
	[tilespmem:$0x10080] =	vst v63  }
0x12e: {  	_ =	swait.ge [sflag:s20], $0x10000  }
0x12f: {  	[sflag:s20] =	ssyncset.done $0x0  }
0x130: {  	s26 =	rddreg [dreg:$0x4];
	[sflag:s20] =	ssyncadd.s32 $0xFFFF0000  }
0x131: {  	[hbm4b:s26+s2] =	stream.linear.scatter [tilespmem:s18], [sflag:$0x1], $0x10000, $0x38;
	[tilespmem:$0x10080] =	vst v63  }
0x132: {  	s28 =	rddreg [dreg:$0x5]  }
0x133: {  	[hbm4b:s28+s2] =	stream.linear.scatter [tilespmem:s18], [sflag:$0x1], $0x10000, $0x38;
	[tilespmem:$0x10080] =	vst v63  }
0x134: {  	s29 =	rddreg [dreg:$0x6]  }
0x135: {  	[hbm4b:s29+s2] =	stream.linear.scatter [tilespmem:s18], [sflag:$0x1], $0x10000, $0x38;
	[tilespmem:$0x10080] =	vst v63  }
0x136: {  	s30 =	rddreg [dreg:$0x7]  }
0x137: {  	[hbm4b:s30+s2] =	stream.linear.scatter [tilespmem:s18], [sflag:$0x1], $0x10000, $0x38;
	[tilespmem:$0x10080] =	vst v63  }
0x138: {  	_ =	swait.ge [sflag:s20], $0x10000  }
0x139: {  	[sflag:s20] =	ssyncset.done $0x0  }
0x13a: {  	[sflag:s20] =	ssyncadd.s32 $0xFFFF0000  }
0x13b: {  	_ =	swait.ge [sflag:s20], $0x10000  }
0x13c: {  	[sflag:s20] =	ssyncset.done $0x0  }
0x13d: {  	[sflag:s20] =	ssyncadd.s32 $0xFFFF0000  }
0x13e: {  	_ =	swait.ge [sflag:s20], $0x10000  }
0x13f: {  	[sflag:s20] =	ssyncset.done $0x0  }
0x140: {  	[sflag:s20] =	ssyncadd.s32 $0xFFFF0000  }
0x141: {  	_ =	swait.ge [sflag:s20], $0x10000  }
0x142: {  	[sflag:s20] =	ssyncset.done $0x0  }
0x143: {  	[sflag:s20] =	ssyncadd.s32 $0xFFFF0000  }
0x144: {  	_ =	sfence.sel $0x180000  }
0x145: {  	s31 =	stileid.u32;
	[bflag:$0x0] =	sbarrier.arrive $0xFFFF  }
0x146: {  	p0 =	sne.s32 s31, $0x0;
	_ =	strace $0x90000047  }
0x147: {  	s0 =	sadd.s32 @!p0 $0x100000, s21;
	[bflag:$0x2] =	sbarrier.arrive $0xFFFF  }
0x148: {  	[sflag:s0] =	ssyncadd.tile.s32 @!p0 $0x1;
	_ =	shalt  }
.LBB2_1:
.Ltmp3:
0x149: {  	(pc) =	sbr.rel .LBB2_6-.Ltmp3, $4  }
0x14a: {  	_ = 	snop  }
0x14b: {  	s30 =	simm.s32 $0xF080;
	s29 =	simm.s32 $0xE880  }
0x14c: {  	s28 =	simm.s32 $0xE080;
	s26 =	simm.s32 $0xD880;
	s25 =	simm.s32 $0xD080  }
0x14d: {  	s24 =	simm.s32 $0xC880;
	s23 =	simm.s32 $0xC080;
	s22 =	simm.s32 $0xB880  }
.LBB2_3:
.Ltmp4:
0x14e: {  	(pc) =	sbr.rel .LBB2_6-.Ltmp4, $4  }
0x14f: {  	_ = 	snop  }
0x150: {  	s30 =	simm.s32 $0xF080;
	s29 =	simm.s32 $0xE880;
	s28 =	simm.s32 $0xE080  }
0x151: {  	s26 =	simm.s32 $0xD880;
	s25 =	simm.s32 $0xD080;
	s24 =	simm.s32 $0xC880  }
0x152: {  	s23 =	simm.s32 $0xC080;
	s22 =	simm.s32 $0xB880;
	s21 =	rddreg [dreg:$0x2]  }
.Lfunc_end2:
_tile_overlayer_lowered:
.L_overlay_start_2:
0x153: {  	(tag) =	ssettag $0x2  }
0x154: {  	s0 =	rddreg [dreg:$0x0];
	s2 =	stileid.u32  }
0x155: {  	s1 =	rddreg [dreg:$0x1];
	p0 =	sne.s32 s2, $0x0  }
0x156: {  	s3 =	rddreg [dreg:$0x2];
	[bflag:$0x3] =	sbarrier.arrive $0xFFFF;
	s2 =	simm.s32 @!p0 $0x1C02  }
0x157: {  	[timem:s3], [sflag:s2] =	dma.local @!p0 [hbm:s0], s1  }
0x158: {  	s0 =	simm.s32 @!p0 $0x2  }
0x159: {  	_ =	swait.ge @!p0 [sflag:s0], s1  }
0x15a: {  	s1 =	ssub.s32 @!p0 $0x0, s1;
	[sflag:s0] =	ssyncset.done @!p0 $0x0  }
0x15b: {  	[sflag:s0] =	ssyncadd.s32 @!p0 s1  }
0x15c: {  	[bflag:$0x3] =	sbarrier.arrive $0xFFFF  }
0x15d: {  	_ =	shalt  }

</sc_bundles>
